<compile_context>
chip_gen: v7x
topology: tpu7x:2x2x1
jax: 0.10.2.dev20260603
libtpu: 0.0.44.dev20260713+nightly
codegen_flags: <defaults>
</compile_context>

<pallas_src>
import functools

import jax
import jax.numpy as jnp
from jax import lax
from jax.experimental import pallas as pl
from jax.experimental.pallas import tpu as pltpu
from jax.experimental.pallas import tpu_sc as plsc

T = 50
D_TIME = 8
D_SPACE = 8
EMBED_DIM = 16
SPACER = 17
D_OUT = 2 * D_TIME + 2 + 2 * D_SPACE + SPACER + 1 + EMBED_DIM + 1

_NC = 2
_NS = 16
_NW = _NC * _NS


def _sc_embedding_gather(table, ids):
    B = ids.shape[0]
    D = table.shape[1]
    b_per_w = B // _NW
    mesh = plsc.VectorSubcoreMesh(core_axis_name="c", subcore_axis_name="s")

    @functools.partial(
        pl.kernel,
        mesh=mesh,
        out_type=jax.ShapeDtypeStruct((B, D), jnp.float32),
        scratch_types=[
            pltpu.VMEM((b_per_w,), jnp.int32),
            pltpu.VMEM((b_per_w, D), jnp.float32),
            pltpu.SemaphoreType.DMA,
        ],
    )
    def gather_kernel(table_hbm, idx_hbm, out_hbm, idx_v, rows_v, sem):
        wid = lax.axis_index("s") * _NC + lax.axis_index("c")
        base = wid * b_per_w
        pltpu.sync_copy(idx_hbm.at[pl.ds(base, b_per_w)], idx_v)
        pltpu.async_copy(table_hbm.at[idx_v], rows_v, sem).wait()
        pltpu.sync_copy(rows_v, out_hbm.at[pl.ds(base, b_per_w)])

    return gather_kernel(table, ids)


def _assemble_t_body(t0i_ref, tf_ref, t0f_ref, az_ref, el_ref, y_ref, x_ref,
                     emb_ref, gsp_ref, o_ref):
    bl = o_ref.shape[2]
    o_ref[:, 0:8, :] = tf_ref[...]
    o_ref[:, 8:16, :] = jnp.broadcast_to(t0f_ref[...][None], (T, D_TIME, bl))
    o_ref[:, 16:17, :] = jnp.reshape(az_ref[...], (T, 1, bl))
    o_ref[:, 17:18, :] = jnp.reshape(el_ref[...], (T, 1, bl))
    o_ref[:, 18:26, :] = jnp.broadcast_to(y_ref[...][None], (T, D_SPACE, bl))
    o_ref[:, 26:34, :] = jnp.broadcast_to(x_ref[...][None], (T, D_SPACE, bl))
    o_ref[:, 34:51, :] = jnp.zeros((T, SPACER, bl), jnp.float32)
    o_ref[:, 51:52, :] = jnp.ones((T, 1, bl), jnp.float32)
    o_ref[:, 52:68, :] = jnp.broadcast_to(emb_ref[...][None],
                                          (T, EMBED_DIM, bl))
    t = lax.broadcasted_iota(jnp.int32, (T, 1, bl), 0)
    o_ref[:, 68:69, :] = jnp.where(t <= t0i_ref[0], gsp_ref[...], 0.0)


def _assemble_t(t0i, tf_t, t0f_t, az_t, el_t, y_t, x_t, emb_t, gsp_t,
                block_l=512):
    B = tf_t.shape[2]
    grid = (B // block_l,)

    def m3(i):
        return (0, 0, i)

    def m2(i):
        return (0, i)

    return pl.pallas_call(
        _assemble_t_body,
        grid=grid,
        in_specs=[
            pl.BlockSpec(memory_space=pltpu.SMEM),
            pl.BlockSpec((T, D_TIME, block_l), m3),
            pl.BlockSpec((D_TIME, block_l), m2),
            pl.BlockSpec((T, block_l), m2),
            pl.BlockSpec((T, block_l), m2),
            pl.BlockSpec((D_SPACE, block_l), m2),
            pl.BlockSpec((D_SPACE, block_l), m2),
            pl.BlockSpec((EMBED_DIM, block_l), m2),
            pl.BlockSpec((T, 1, block_l), m3),
        ],
        out_specs=pl.BlockSpec((T, D_OUT, block_l), m3),
        out_shape=jax.ShapeDtypeStruct((T, D_OUT, B), jnp.float32),
    )(t0i, tf_t, t0f_t, az_t, el_t, y_t, x_t, emb_t, gsp_t)


def kernel(gsp, gsp_time_utc_fourier, gsp_solar_azimuth, gsp_solar_elevation,
           gsp_y_osgb_fourier, gsp_x_osgb_fourier, gsp_time_utc_fourier_t0,
           embedding_table, gsp_id, t0_idx):
    B = gsp.shape[0]
    ids = jnp.reshape(gsp_id, (B,))
    table_padded = jnp.pad(embedding_table,
                           ((0, 0), (0, 128 - embedding_table.shape[1])))
    emb = _sc_embedding_gather(table_padded, ids)
    emb_t = jnp.transpose(emb[:, 0:EMBED_DIM], (1, 0))
    t0i = jnp.reshape(jnp.asarray(t0_idx, jnp.int32), (1,))
    out_t = _assemble_t(
        t0i,
        jnp.transpose(gsp_time_utc_fourier, (1, 2, 0)),
        jnp.transpose(gsp_time_utc_fourier_t0, (1, 0)),
        jnp.transpose(gsp_solar_azimuth, (1, 0)),
        jnp.transpose(gsp_solar_elevation, (1, 0)),
        jnp.reshape(gsp_y_osgb_fourier, (B, D_SPACE)).T,
        jnp.reshape(gsp_x_osgb_fourier, (B, D_SPACE)).T,
        emb_t,
        jnp.transpose(gsp, (1, 2, 0)),
    )
    return jnp.transpose(out_t, (2, 0, 1))

# --- scband reference (transcript-rebuilt; emitter-appended) ---
"""Pipeline reference for scband-gspquery-generator-23871428231220 (READ-ONLY COPY).

The authoritative reference and input builder live on the scoring server;
editing this copy changes nothing except your own understanding.
"""

import jax, jax.numpy as jnp
import numpy as np

SATELLITE_SPACER_LEN = 17


def setup_inputs(seed: int = 0) -> dict:
    key = jax.random.key(seed)
    ks = jax.random.split(key, 9)
    B, T = 4096, 50
    d_time, d_space, embed_dim, vocab = 8, 8, 16, 1000
    return {
        "gsp": jax.random.uniform(ks[0], (B, T, 1), dtype=jnp.float32),
        "gsp_time_utc_fourier": jax.random.normal(ks[1], (B, T, d_time), dtype=jnp.float32),
        "gsp_solar_azimuth": jax.random.uniform(ks[2], (B, T), dtype=jnp.float32),
        "gsp_solar_elevation": jax.random.uniform(ks[3], (B, T), dtype=jnp.float32),
        "gsp_y_osgb_fourier": jax.random.normal(ks[4], (B, 1, d_space), dtype=jnp.float32),
        "gsp_x_osgb_fourier": jax.random.normal(ks[5], (B, 1, d_space), dtype=jnp.float32),
        "gsp_time_utc_fourier_t0": jax.random.normal(ks[6], (B, d_time), dtype=jnp.float32),
        "embedding_table": jax.random.normal(ks[7], (vocab, embed_dim), dtype=jnp.float32) * 0.02,
        "gsp_id": jax.random.randint(ks[8], (B, 1), 0, vocab, dtype=jnp.int32),
        "t0_idx": 24,
    }


def reference(gsp, gsp_time_utc_fourier, gsp_solar_azimuth, gsp_solar_elevation,
              gsp_y_osgb_fourier, gsp_x_osgb_fourier, gsp_time_utc_fourier_t0,
              embedding_table, gsp_id, t0_idx):
    # Faithful translation of GSPQueryGenerator.forward with
    # include_history=True, do_reshape_time_as_batch=False, base_batch_key=gsp.
    B, T, _ = gsp.shape
    time_fourier = gsp_time_utc_fourier  # (B, T, d_time)
    time_fourier_t0 = jnp.broadcast_to(
        gsp_time_utc_fourier_t0[:, None, :], (B, T, gsp_time_utc_fourier_t0.shape[-1]))
    solar_azimuth = gsp_solar_azimuth[..., None]    # (B, T, 1)
    solar_elevation = gsp_solar_elevation[..., None]
    y_fourier = jnp.broadcast_to(gsp_y_osgb_fourier, (B, T, gsp_y_osgb_fourier.shape[-1]))
    x_fourier = jnp.broadcast_to(gsp_x_osgb_fourier, (B, T, gsp_x_osgb_fourier.shape[-1]))
    # gsp_id_embedding = self.gsp_id_embedding(nan_to_num(gsp_id).int()).unsqueeze(1)
    ids = jnp.squeeze(gsp_id, axis=-1)              # (B,)
    emb = jnp.take(embedding_table, ids, axis=0)    # (B, embed_dim) -- SparseCore gather
    gsp_id_embedding = jnp.broadcast_to(emb[:, None, :], (B, T, emb.shape[-1]))
    gsp_marker = jnp.ones_like(solar_azimuth)
    satellite_spacer = jnp.zeros((B, T, SATELLITE_SPACER_LEN), dtype=time_fourier.dtype)
    # history = x[base].detach().clone(); history[:, t0_idx+1:] = 0
    mask = (jnp.arange(T) <= t0_idx)[None, :, None].astype(gsp.dtype)
    history = jax.lax.stop_gradient(gsp) * mask
    gsp_query = jnp.concatenate(
        (time_fourier, time_fourier_t0, solar_azimuth, solar_elevation,
         y_fourier, x_fourier, satellite_spacer, gsp_marker,
         gsp_id_embedding, history), axis=2)
    return gsp_query

if __name__ == "__main__":
    import jax
    _d = setup_inputs()
    print(jax.jit(kernel)(*tuple(_d.values())))

</pallas_src>

<mosaic_0001>
#map = affine_map<(d0, d1) -> (0, 0)>
#map1 = affine_map<(d0, d1) -> (0)>
module attributes {stable_mosaic.version = 14 : i64} {
  func.func @gather_kernel(%arg0: i32, %arg1: i32, %arg2: memref<1000x128xf32, #tpu.memory_space<hbm>>, %arg3: memref<4096xi32, #tpu.memory_space<hbm>>, %arg4: memref<4096x128xf32, #tpu.memory_space<hbm>>, %arg5: memref<128xi32, #tpu.memory_space<vmem>>, %arg6: memref<128x128xf32, #tpu.memory_space<vmem>>, %arg7: memref<!tpu.dma_semaphore, #tpu.memory_space<semaphore_mem>>) attributes {dimension_semantics = [#tpu.dimension_semantics<core_parallel>, #tpu.dimension_semantics<subcore_parallel>], iteration_bounds = array<i64: 2, 16>, scalar_prefetch = 0 : i64, scratch_operands = 3 : i64, tpu.core_type = #tpu.core_type<sc_vector_subcore>, window_params = [{transform_indices = #map}, {transform_indices = #map1}, {transform_indices = #map}]} {
    %mul3A = arith.constant 2 : i32
    %mul3A_0 = arith.muli %arg1, %mul3A : i32
    %add3A = arith.addi %mul3A_0, %arg0 : i32
    %mul3A_1 = arith.constant 128 : i32
    %mul3A_2 = arith.muli %add3A, %mul3A_1 : i32
    "tpu.region"() ({
      %run_scoped3A = tpu.sem_alloc : memref<!tpu.dma_semaphore, #tpu.memory_space<semaphore_mem>>
      %dma_start3A_7 = tpu.memref_slice %arg3[%mul3A_2] : memref<4096xi32, #tpu.memory_space<hbm>> -> memref<128xi32, #tpu.memory_space<hbm>>
      %dma_start3A_8 = tpu.memref_slice %arg3[%mul3A_2] : memref<4096xi32, #tpu.memory_space<hbm>> -> memref<128xi32, #tpu.memory_space<hbm>>
      tpu.enqueue_dma source(%dma_start3A_8 : memref<128xi32, #tpu.memory_space<hbm>>) target(%arg5 : memref<128xi32, #tpu.memory_space<vmem>>) target_semaphore(%run_scoped3A : memref<!tpu.dma_semaphore, #tpu.memory_space<semaphore_mem>>)
      %dma_wait3A_9 = tpu.memref_slice %arg3[%mul3A_2] : memref<4096xi32, #tpu.memory_space<hbm>> -> memref<128xi32, #tpu.memory_space<hbm>>
      %dma_wait3A_10 = tpu.memref_slice %arg3[%mul3A_2] : memref<4096xi32, #tpu.memory_space<hbm>> -> memref<128xi32, #tpu.memory_space<hbm>>
      tpu.wait_dma2 semaphore(%run_scoped3A : memref<!tpu.dma_semaphore, #tpu.memory_space<semaphore_mem>>) src(%dma_wait3A_10 : memref<128xi32, #tpu.memory_space<hbm>>) dst(%arg5 : memref<128xi32, #tpu.memory_space<vmem>>)
      tpu.yield
    }) : () -> ()
    %dma_start3A = arith.constant 0 : i32
    %dma_start3A_3 = arith.constant 0 : i32
    %dma_start3A_4 = tpu.memref_slice %arg2[%dma_start3A, %dma_start3A_3] : memref<1000x128xf32, #tpu.memory_space<hbm>> -> memref<1000x128xf32, #tpu.memory_space<hbm>>
    tpu.enqueue_indirect_dma source(%dma_start3A_4 : memref<1000x128xf32, #tpu.memory_space<hbm>>) target(%arg6 : memref<128x128xf32, #tpu.memory_space<vmem>>) offsets(%arg5 : memref<128xi32, #tpu.memory_space<vmem>>) semaphore(%arg7 : memref<!tpu.dma_semaphore, #tpu.memory_space<semaphore_mem>>)
    %dma_wait3A = arith.constant 0 : i32
    %dma_wait3A_5 = arith.constant 0 : i32
    %dma_wait3A_6 = tpu.memref_slice %arg2[%dma_wait3A, %dma_wait3A_5] : memref<1000x128xf32, #tpu.memory_space<hbm>> -> memref<1000x128xf32, #tpu.memory_space<hbm>>
    tpu.wait_indirect_dma semaphore(%arg7 : memref<!tpu.dma_semaphore, #tpu.memory_space<semaphore_mem>>) src(%dma_wait3A_6 : memref<1000x128xf32, #tpu.memory_space<hbm>>) dst(%arg6 : memref<128x128xf32, #tpu.memory_space<vmem>>)
    "tpu.region"() ({
      %run_scoped3A = tpu.sem_alloc : memref<!tpu.dma_semaphore, #tpu.memory_space<semaphore_mem>>
      %dma_start3A_7 = arith.constant 0 : i32
      %dma_start3A_8 = tpu.memref_slice %arg4[%mul3A_2, %dma_start3A_7] : memref<4096x128xf32, #tpu.memory_space<hbm>> -> memref<128x128xf32, #tpu.memory_space<hbm>>
      %dma_start3A_9 = arith.constant 0 : i32
      %dma_start3A_10 = tpu.memref_slice %arg4[%mul3A_2, %dma_start3A_9] : memref<4096x128xf32, #tpu.memory_space<hbm>> -> memref<128x128xf32, #tpu.memory_space<hbm>>
      tpu.enqueue_dma source(%arg6 : memref<128x128xf32, #tpu.memory_space<vmem>>) target(%dma_start3A_10 : memref<128x128xf32, #tpu.memory_space<hbm>>) target_semaphore(%run_scoped3A : memref<!tpu.dma_semaphore, #tpu.memory_space<semaphore_mem>>)
      %dma_wait3A_11 = arith.constant 0 : i32
      %dma_wait3A_12 = tpu.memref_slice %arg4[%mul3A_2, %dma_wait3A_11] : memref<4096x128xf32, #tpu.memory_space<hbm>> -> memref<128x128xf32, #tpu.memory_space<hbm>>
      %dma_wait3A_13 = arith.constant 0 : i32
      %dma_wait3A_14 = tpu.memref_slice %arg4[%mul3A_2, %dma_wait3A_13] : memref<4096x128xf32, #tpu.memory_space<hbm>> -> memref<128x128xf32, #tpu.memory_space<hbm>>
      tpu.wait_dma2 semaphore(%run_scoped3A : memref<!tpu.dma_semaphore, #tpu.memory_space<semaphore_mem>>) src(%arg6 : memref<128x128xf32, #tpu.memory_space<vmem>>) dst(%dma_wait3A_14 : memref<128x128xf32, #tpu.memory_space<hbm>>)
      tpu.yield
    }) : () -> ()
    return
  }
}

module attributes {stable_mosaic.version = 14 : i64} {
  func.func @_assemble_t_body(%arg0: i32, %arg1: memref<1xi32, #tpu.memory_space<smem>>, %arg2: memref<50x8x512xf32, #tpu.memory_space<vmem>>, %arg3: memref<8x512xf32, #tpu.memory_space<vmem>>, %arg4: memref<50x512xf32, #tpu.memory_space<vmem>>, %arg5: memref<50x512xf32, #tpu.memory_space<vmem>>, %arg6: memref<8x512xf32, #tpu.memory_space<vmem>>, %arg7: memref<8x512xf32, #tpu.memory_space<vmem>>, %arg8: memref<16x512xf32, #tpu.memory_space<vmem>>, %arg9: memref<50x1x512xf32, #tpu.memory_space<vmem>>, %arg10: memref<50x69x512xf32, #tpu.memory_space<vmem>>) attributes {dimension_semantics = [#tpu.dimension_semantics<arbitrary>], iteration_bounds = array<i64: 8>, scalar_prefetch = 0 : i64, scratch_operands = 0 : i64, tpu.core_type = #tpu.core_type<tc>, window_params = [{transform_indices = @transform_0, window_bounds = array<i64: 1>}, {transform_indices = @transform_1, window_bounds = array<i64: 50, 8, 512>}, {transform_indices = @transform_2, window_bounds = array<i64: 8, 512>}, {transform_indices = @transform_3, window_bounds = array<i64: 50, 512>}, {transform_indices = @transform_4, window_bounds = array<i64: 50, 512>}, {transform_indices = @transform_5, window_bounds = array<i64: 8, 512>}, {transform_indices = @transform_6, window_bounds = array<i64: 8, 512>}, {transform_indices = @transform_7, window_bounds = array<i64: 16, 512>}, {transform_indices = @transform_8, window_bounds = array<i64: 50, 1, 512>}, {transform_indices = @transform_9, window_bounds = array<i64: 50, 69, 512>}]} {
    %get3A = arith.constant 0 : index
    %get3A_0 = arith.constant 0 : index
    %get3A_1 = arith.constant 0 : index
    %get3A_2 = vector.load %arg2[%get3A, %get3A_0, %get3A_1] : memref<50x8x512xf32, #tpu.memory_space<vmem>>, vector<50x8x512xf32>
    %swap3A = arith.constant 0 : index
    %swap3A_3 = arith.constant 0 : index
    %swap3A_4 = arith.constant 0 : index
    %swap3A_5 = vector.load %arg10[%swap3A, %swap3A_3, %swap3A_4] : memref<50x69x512xf32, #tpu.memory_space<vmem>>, vector<50x8x512xf32>
    tpu.vector_store %arg10[%swap3A, %swap3A_3, %swap3A_4], %get3A_2 {strides = array<i32>} : memref<50x69x512xf32, #tpu.memory_space<vmem>>, vector<50x8x512xf32>,
    %get3A_6 = arith.constant 0 : index
    %get3A_7 = arith.constant 0 : index
    %get3A_8 = vector.load %arg3[%get3A_6, %get3A_7] : memref<8x512xf32, #tpu.memory_space<vmem>>, vector<8x512xf32>
    %broadcast_in_dim3A = vector.shape_cast %get3A_8 : vector<8x512xf32> to vector<1x8x512xf32>
    %broadcast_in_dim3A_9 = vector.shape_cast %broadcast_in_dim3A : vector<1x8x512xf32> to vector<1x8x512xf32>
    %broadcast_in_dim3A_10 = vector.broadcast %broadcast_in_dim3A_9 : vector<1x8x512xf32> to vector<50x8x512xf32>
    %swap3A_11 = arith.constant 0 : index
    %swap3A_12 = arith.constant 8 : index
    %swap3A_13 = arith.constant 0 : index
    %swap3A_14 = vector.load %arg10[%swap3A_11, %swap3A_12, %swap3A_13] : memref<50x69x512xf32, #tpu.memory_space<vmem>>, vector<50x8x512xf32>
    tpu.vector_store %arg10[%swap3A_11, %swap3A_12, %swap3A_13], %broadcast_in_dim3A_10 {strides = array<i32>} : memref<50x69x512xf32, #tpu.memory_space<vmem>>, vector<50x8x512xf32>,
    %get3A_15 = arith.constant 0 : index
    %get3A_16 = arith.constant 0 : index
    %get3A_17 = vector.load %arg4[%get3A_15, %get3A_16] : memref<50x512xf32, #tpu.memory_space<vmem>>, vector<50x512xf32>
    %reshape3A = vector.shape_cast %get3A_17 : vector<50x512xf32> to vector<50x1x512xf32>
    %swap3A_18 = arith.constant 0 : index
    %swap3A_19 = arith.constant 16 : index
    %swap3A_20 = arith.constant 0 : index
    %swap3A_21 = vector.load %arg10[%swap3A_18, %swap3A_19, %swap3A_20] : memref<50x69x512xf32, #tpu.memory_space<vmem>>, vector<50x1x512xf32>
    tpu.vector_store %arg10[%swap3A_18, %swap3A_19, %swap3A_20], %reshape3A {strides = array<i32>} : memref<50x69x512xf32, #tpu.memory_space<vmem>>, vector<50x1x512xf32>,
    %get3A_22 = arith.constant 0 : index
    %get3A_23 = arith.constant 0 : index
    %get3A_24 = vector.load %arg5[%get3A_22, %get3A_23] : memref<50x512xf32, #tpu.memory_space<vmem>>, vector<50x512xf32>
    %reshape3A_25 = vector.shape_cast %get3A_24 : vector<50x512xf32> to vector<50x1x512xf32>
    %swap3A_26 = arith.constant 0 : index
    %swap3A_27 = arith.constant 17 : index
    %swap3A_28 = arith.constant 0 : index
    %swap3A_29 = vector.load %arg10[%swap3A_26, %swap3A_27, %swap3A_28] : memref<50x69x512xf32, #tpu.memory_space<vmem>>, vector<50x1x512xf32>
    tpu.vector_store %arg10[%swap3A_26, %swap3A_27, %swap3A_28], %reshape3A_25 {strides = array<i32>} : memref<50x69x512xf32, #tpu.memory_space<vmem>>, vector<50x1x512xf32>,
    %get3A_30 = arith.constant 0 : index
    %get3A_31 = arith.constant 0 : index
    %get3A_32 = vector.load %arg6[%get3A_30, %get3A_31] : memref<8x512xf32, #tpu.memory_space<vmem>>, vector<8x512xf32>
    %broadcast_in_dim3A_33 = vector.shape_cast %get3A_32 : vector<8x512xf32> to vector<1x8x512xf32>
    %broadcast_in_dim3A_34 = vector.shape_cast %broadcast_in_dim3A_33 : vector<1x8x512xf32> to vector<1x8x512xf32>
    %broadcast_in_dim3A_35 = vector.broadcast %broadcast_in_dim3A_34 : vector<1x8x512xf32> to vector<50x8x512xf32>
    %swap3A_36 = arith.constant 0 : index
    %swap3A_37 = arith.constant 18 : index
    %swap3A_38 = arith.constant 0 : index
    %swap3A_39 = vector.load %arg10[%swap3A_36, %swap3A_37, %swap3A_38] : memref<50x69x512xf32, #tpu.memory_space<vmem>>, vector<50x8x512xf32>
    tpu.vector_store %arg10[%swap3A_36, %swap3A_37, %swap3A_38], %broadcast_in_dim3A_35 {strides = array<i32>} : memref<50x69x512xf32, #tpu.memory_space<vmem>>, vector<50x8x512xf32>,
    %get3A_40 = arith.constant 0 : index
    %get3A_41 = arith.constant 0 : index
    %get3A_42 = vector.load %arg7[%get3A_40, %get3A_41] : memref<8x512xf32, #tpu.memory_space<vmem>>, vector<8x512xf32>
    %broadcast_in_dim3A_43 = vector.shape_cast %get3A_42 : vector<8x512xf32> to vector<1x8x512xf32>
    %broadcast_in_dim3A_44 = vector.shape_cast %broadcast_in_dim3A_43 : vector<1x8x512xf32> to vector<1x8x512xf32>
    %broadcast_in_dim3A_45 = vector.broadcast %broadcast_in_dim3A_44 : vector<1x8x512xf32> to vector<50x8x512xf32>
    %swap3A_46 = arith.constant 0 : index
    %swap3A_47 = arith.constant 26 : index
    %swap3A_48 = arith.constant 0 : index
    %swap3A_49 = vector.load %arg10[%swap3A_46, %swap3A_47, %swap3A_48] : memref<50x69x512xf32, #tpu.memory_space<vmem>>, vector<50x8x512xf32>
    tpu.vector_store %arg10[%swap3A_46, %swap3A_47, %swap3A_48], %broadcast_in_dim3A_45 {strides = array<i32>} : memref<50x69x512xf32, #tpu.memory_space<vmem>>, vector<50x8x512xf32>,
    %broadcast_in_dim3A_50 = arith.constant 0.000000e+00 : f32
    %broadcast_in_dim3A_51 = vector.broadcast %broadcast_in_dim3A_50 : f32 to vector<50x17x512xf32>
    %swap3A_52 = arith.constant 0 : index
    %swap3A_53 = arith.constant 34 : index
    %swap3A_54 = arith.constant 0 : index
    %swap3A_55 = vector.load %arg10[%swap3A_52, %swap3A_53, %swap3A_54] : memref<50x69x512xf32, #tpu.memory_space<vmem>>, vector<50x17x512xf32>
    tpu.vector_store %arg10[%swap3A_52, %swap3A_53, %swap3A_54], %broadcast_in_dim3A_51 {strides = array<i32>} : memref<50x69x512xf32, #tpu.memory_space<vmem>>, vector<50x17x512xf32>,
    %broadcast_in_dim3A_56 = arith.constant 1.000000e+00 : f32
    %broadcast_in_dim3A_57 = vector.broadcast %broadcast_in_dim3A_56 : f32 to vector<50x1x512xf32>
    %swap3A_58 = arith.constant 0 : index
    %swap3A_59 = arith.constant 51 : index
    %swap3A_60 = arith.constant 0 : index
    %swap3A_61 = vector.load %arg10[%swap3A_58, %swap3A_59, %swap3A_60] : memref<50x69x512xf32, #tpu.memory_space<vmem>>, vector<50x1x512xf32>
    tpu.vector_store %arg10[%swap3A_58, %swap3A_59, %swap3A_60], %broadcast_in_dim3A_57 {strides = array<i32>} : memref<50x69x512xf32, #tpu.memory_space<vmem>>, vector<50x1x512xf32>,
    %get3A_62 = arith.constant 0 : index
    %get3A_63 = arith.constant 0 : index
    %get3A_64 = vector.load %arg8[%get3A_62, %get3A_63] : memref<16x512xf32, #tpu.memory_space<vmem>>, vector<16x512xf32>
    %broadcast_in_dim3A_65 = vector.shape_cast %get3A_64 : vector<16x512xf32> to vector<1x16x512xf32>
    %broadcast_in_dim3A_66 = vector.shape_cast %broadcast_in_dim3A_65 : vector<1x16x512xf32> to vector<1x16x512xf32>
    %broadcast_in_dim3A_67 = vector.broadcast %broadcast_in_dim3A_66 : vector<1x16x512xf32> to vector<50x16x512xf32>
    %swap3A_68 = arith.constant 0 : index
    %swap3A_69 = arith.constant 52 : index
    %swap3A_70 = arith.constant 0 : index
    %swap3A_71 = vector.load %arg10[%swap3A_68, %swap3A_69, %swap3A_70] : memref<50x69x512xf32, #tpu.memory_space<vmem>>, vector<50x16x512xf32>
    tpu.vector_store %arg10[%swap3A_68, %swap3A_69, %swap3A_70], %broadcast_in_dim3A_67 {strides = array<i32>} : memref<50x69x512xf32, #tpu.memory_space<vmem>>, vector<50x16x512xf32>,
    %iota3A = tpu.iota {dimensions = array<i32: 0>} : vector<50x1x512xi32>
    %get3A_72 = arith.constant 0 : index
    %get3A_73 = memref.load %arg1[%get3A_72] : memref<1xi32, #tpu.memory_space<smem>>
    %le3A = vector.broadcast %get3A_73 : i32 to vector<50x1x512xi32>
    %le3A_74 = arith.cmpi sle, %iota3A, %le3A : vector<50x1x512xi32>
    %get3A_75 = arith.constant 0 : index
    %get3A_76 = arith.constant 0 : index
    %get3A_77 = arith.constant 0 : index
    %get3A_78 = vector.load %arg9[%get3A_75, %get3A_76, %get3A_77] : memref<50x1x512xf32, #tpu.memory_space<vmem>>, vector<50x1x512xf32>
    %jit3A = arith.constant 0.000000e+00 : f32
    %broadcast_in_dim3A_79 = vector.broadcast %jit3A : f32 to vector<50x1x512xf32>
    %select_n3A = arith.select %le3A_74, %get3A_78, %broadcast_in_dim3A_79 : vector<50x1x512xi1>, vector<50x1x512xf32>
    %swap3A_80 = arith.constant 0 : index
    %swap3A_81 = arith.constant 68 : index
    %swap3A_82 = arith.constant 0 : index
    %swap3A_83 = vector.load %arg10[%swap3A_80, %swap3A_81, %swap3A_82] : memref<50x69x512xf32, #tpu.memory_space<vmem>>, vector<50x1x512xf32>
    tpu.vector_store %arg10[%swap3A_80, %swap3A_81, %swap3A_82], %select_n3A {strides = array<i32>} : memref<50x69x512xf32, #tpu.memory_space<vmem>>, vector<50x1x512xf32>,
    return
  }
  func.func @transform_0(%arg0: i32) -> i32 {
    %c0_i32 = arith.constant 0 : i32
    %c0_i32_0 = arith.constant 0 : i32
    return %c0_i32 : i32
  }
  func.func @transform_1(%arg0: i32) -> (i32, i32, i32) {
    %c0_i32 = arith.constant 0 : i32
    %c0_i32_0 = arith.constant 0 : i32
    %c0_i32_1 = arith.constant 0 : i32
    return %c0_i32, %c0_i32_0, %arg0 : i32, i32, i32
  }
  func.func @transform_2(%arg0: i32) -> (i32, i32) {
    %c0_i32 = arith.constant 0 : i32
    %c0_i32_0 = arith.constant 0 : i32
    return %c0_i32, %arg0 : i32, i32
  }
  func.func @transform_3(%arg0: i32) -> (i32, i32) {
    %c0_i32 = arith.constant 0 : i32
    %c0_i32_0 = arith.constant 0 : i32
    return %c0_i32, %arg0 : i32, i32
  }
  func.func @transform_4(%arg0: i32) -> (i32, i32) {
    %c0_i32 = arith.constant 0 : i32
    %c0_i32_0 = arith.constant 0 : i32
    return %c0_i32, %arg0 : i32, i32
  }
  func.func @transform_5(%arg0: i32) -> (i32, i32) {
    %c0_i32 = arith.constant 0 : i32
    %c0_i32_0 = arith.constant 0 : i32
    return %c0_i32, %arg0 : i32, i32
  }
  func.func @transform_6(%arg0: i32) -> (i32, i32) {
    %c0_i32 = arith.constant 0 : i32
    %c0_i32_0 = arith.constant 0 : i32
    return %c0_i32, %arg0 : i32, i32
  }
  func.func @transform_7(%arg0: i32) -> (i32, i32) {
    %c0_i32 = arith.constant 0 : i32
    %c0_i32_0 = arith.constant 0 : i32
    return %c0_i32, %arg0 : i32, i32
  }
  func.func @transform_8(%arg0: i32) -> (i32, i32, i32) {
    %c0_i32 = arith.constant 0 : i32
    %c0_i32_0 = arith.constant 0 : i32
    %c0_i32_1 = arith.constant 0 : i32
    return %c0_i32, %c0_i32_0, %arg0 : i32, i32, i32
  }
  func.func @transform_9(%arg0: i32) -> (i32, i32, i32) {
    %c0_i32 = arith.constant 0 : i32
    %c0_i32_0 = arith.constant 0 : i32
    %c0_i32_1 = arith.constant 0 : i32
    return %c0_i32, %c0_i32_0, %arg0 : i32, i32, i32
  }
}

</mosaic_0001>

<sc_bundles>
// kernel: kernel.4.cloned.1.call-start
scs
__scs_entry_jumppad:
0x0: {  	(pc) =	sbr.rel $0x88, $3  }
0x1: {  	(tag) =	ssettag $0x0;
	lr =	simm.s32 $0x1  }
0x2: {  	[smem:$0x3F97] =	sst lr;
	_ =	strace $0xD0000000  }
0x3: {  	_ = 	snop  }
0x4: {  	_ = 	snop  }
0x5: {  	_ = 	snop  }
0x6: {  	_ = 	snop  }
0x7: {  	_ = 	snop  }
__scs_overlays_trampoline_lowered:
0x8: {  	[smem:$0x3FA6] =	sst s0  }
0x9: {  	[smem:$0x3FA7] =	sst s1  }
0xa: {  	[smem:$0x3FA8] =	sst s2  }
0xb: {  	[smem:$0x3FA9] =	sst s3  }
0xc: {  	[smem:$0x3FAA] =	sst s4  }
0xd: {  	[smem:$0x3FAB] =	sst s5  }
0xe: {  	[smem:$0x3FAC] =	sst s6  }
0xf: {  	[smem:$0x3FAD] =	sst s7  }
0x10: {  	[smem:$0x3FAE] =	sst s8  }
0x11: {  	[smem:$0x3FAF] =	sst s9;
	s0 =	simm.s32 @!p0 $0x0  }
0x12: {  	s1 =	sld [smem:$0x3F95];
	s0 =	simm.s32 @p0 $0x1  }
0x13: {  	[smem:$0x3FB0] =	sst s0;
	s0 =	simm.s32 @!p1 $0x0  }
0x14: {  	s2 =	sld [smem:$0x3F94];
	s0 =	simm.s32 @p1 $0x1  }
0x15: {  	[smem:$0x3FB1] =	sst s0;
	s0 =	simm.s32 @!p2 $0x0  }
0x16: {  	s3 =	sld [smem:$0x3FDB];
	s0 =	simm.s32 @p2 $0x1  }
0x17: {  	s4 =	simm.s32 $0x1BF5;
	[smem:$0x3FB3] =	sst s0  }
0x18: {  	s0 =	sld [smem:$0x3F96];
	_ =	swait.ge [sflag:s4], $0x0  }
0x19: {  	s7 =	sld [smem:$0x3F97]  }
0x1a: {  	s8 =	sadd.s32 $0xFFFFE003, lr  }
0x1b: {  	s9 =	sadd.s32 $0xFFFFFEF7, lr;
	s5 =	simm.s32 $0xFFFFFFFF;
	p2 =	slt.u32 s8, $0xFFFFF086  }
0x1c: {  	p1 =	slt.u32 s9, $0xF7A;
	s5 =	simm.s32 @!p2 $0x0  }
0x1d: {  	s5 =	simm.s32 @p1 $0x1;
	p0 =	seq.s32 s7, s2  }
0x1e: {  	s7 =	smul.u32 @!p0 $0xF7A, s2;
	p2 =	seq.s32 @!p0 s5, $0x0  }
0x1f: {  	s9 =	smul.u32 $0xF7A, s1;
	s8 =	simm.s32 @!p0 $0x1BF5;
	p2 =	por !p2, p0  }
0x20: {  	[sflag:s8] =	ssyncset.s32 @!p0 $0xFFFFF086;
	s6 =	sadd.s32 @!p0 s3, s7;
	s7 =	simm.s32 @!p0 $0x108  }
0x21: {  	s3 =	sadd.s32 s3, s9;
	s6 =	sadd.s32 @!p0 $0x88, s6;
	s7 =	simm.s32 @p2 $0x1082  }
0x22: {  	[simem:s7], [sflag:s8] =	dma.local @!p0 [hbm:s6], $0xF7A  }
0x23: {  	s9 =	sor.u32 $0xD0000000, s2;
	s6 =	simm.s32 $0x108;
	_ =	swait.ge @!p0 [sflag:s8], $0x0  }
0x24: {  	s3 =	sadd.s32 $0x88, s3;
	s6 =	simm.s32 @!p1 $0x1082;
	[sflag:s4] =	ssyncset.s32 $0xFFFFF086  }
0x25: {  	[simem:s6], [sflag:s4] =	dma.local [hbm:s3], $0xF7A  }
0x26: {  	[smem:$0x3F97] =	sst s1;
	(tag) =	ssettag s2;
	_ =	strace s9  }
0x27: {  	s1 =	sld [smem:$0x3FA7]  }
0x28: {  	s2 =	sld [smem:$0x3FA8]  }
0x29: {  	s4 =	sld [smem:$0x3FAA]  }
0x2a: {  	p0 =	seq.s32 s5, $0x0;
	s5 =	sld [smem:$0x3FAB]  }
0x2b: {  	s6 =	sld [smem:$0x3FAC]  }
0x2c: {  	s7 =	sld [smem:$0x3FAD]  }
0x2d: {  	s3 =	simm.s32 $0x108;
	s8 =	sld [smem:$0x3FAE]  }
0x2e: {  	s3 =	simm.s32 @!p0 $0x1082;
	s9 =	sld [smem:$0x3FAF]  }
0x2f: {  	lr =	sadd.s32 s0, s3;
	s0 =	sld [smem:$0x3FA6]  }
0x30: {  	s3 =	sld [smem:$0x3FA9]  }
0x31: {  	[smem:$0x3FB2] =	sst s10  }
0x32: {  	s10 =	sld [smem:$0x3FB0];
	_ =	sdelay $0x3  }
0x33: {  	p0 =	seq.s32 s10, $0x1;
	s10 =	sld [smem:$0x3FB2];
	_ =	sdelay $0x3  }
0x34: {  	[smem:$0x3FB2] =	sst s10  }
0x35: {  	s10 =	sld [smem:$0x3FB1];
	_ =	sdelay $0x3  }
0x36: {  	p1 =	seq.s32 s10, $0x1;
	s10 =	sld [smem:$0x3FB2];
	_ =	sdelay $0x3  }
0x37: {  	[smem:$0x3FB2] =	sst s10  }
0x38: {  	s10 =	sld [smem:$0x3FB3]  }
0x39: {  	_ = 	snop;
	(pc) =	sbr.ind lr, $3  }
0x3a: {  	_ = 	snop  }
0x3b: {  	_ = 	snop  }
0x3c: {  	p2 =	seq.s32 s10, $0x1;
	s10 =	sld [smem:$0x3FB2]  }
0x3d: {  	_ =	shalt  }
0x3e: {  	_ =	shalt  }
0x3f: {  	_ =	shalt  }
0x40: {  	_ =	shalt  }
0x41: {  	_ =	shalt  }
0x42: {  	_ =	shalt  }
0x43: {  	_ =	shalt  }
0x44: {  	_ =	shalt  }
0x45: {  	_ =	shalt  }
0x46: {  	_ =	shalt  }
0x47: {  	_ =	shalt  }
0x48: {  	_ =	shalt  }
0x49: {  	_ =	shalt  }
0x4a: {  	_ =	shalt  }
0x4b: {  	_ =	shalt  }
0x4c: {  	_ =	shalt  }
0x4d: {  	_ =	shalt  }
0x4e: {  	_ =	shalt  }
0x4f: {  	_ =	shalt  }
0x50: {  	_ =	shalt  }
0x51: {  	_ =	shalt  }
0x52: {  	_ =	shalt  }
0x53: {  	_ =	shalt  }
0x54: {  	_ =	shalt  }
0x55: {  	_ =	shalt  }
0x56: {  	_ =	shalt  }
0x57: {  	_ =	shalt  }
0x58: {  	_ =	shalt  }
0x59: {  	_ =	shalt  }
0x5a: {  	_ =	shalt  }
0x5b: {  	_ =	shalt  }
0x5c: {  	_ =	shalt  }
0x5d: {  	_ =	shalt  }
0x5e: {  	_ =	shalt  }
0x5f: {  	_ =	shalt  }
0x60: {  	_ =	shalt  }
0x61: {  	_ =	shalt  }
0x62: {  	_ =	shalt  }
0x63: {  	_ =	shalt  }
0x64: {  	_ =	shalt  }
0x65: {  	_ =	shalt  }
0x66: {  	_ =	shalt  }
0x67: {  	_ =	shalt  }
0x68: {  	_ =	shalt  }
0x69: {  	_ =	shalt  }
0x6a: {  	_ =	shalt  }
0x6b: {  	_ =	shalt  }
0x6c: {  	_ =	shalt  }
0x6d: {  	_ =	shalt  }
0x6e: {  	_ =	shalt  }
0x6f: {  	_ =	shalt  }
0x70: {  	_ =	shalt  }
0x71: {  	_ =	shalt  }
0x72: {  	_ =	shalt  }
0x73: {  	_ =	shalt  }
0x74: {  	_ =	shalt  }
0x75: {  	_ =	shalt  }
0x76: {  	_ =	shalt  }
0x77: {  	_ =	shalt  }
0x78: {  	_ =	shalt  }
0x79: {  	_ =	shalt  }
0x7a: {  	_ =	shalt  }
0x7b: {  	_ =	shalt  }
0x7c: {  	_ =	shalt  }
0x7d: {  	_ =	shalt  }
0x7e: {  	_ =	shalt  }
0x7f: {  	_ =	shalt  }
0x80: {  	_ =	shalt  }
0x81: {  	_ =	shalt  }
0x82: {  	_ =	shalt  }
0x83: {  	_ =	shalt  }
0x84: {  	_ =	shalt  }
0x85: {  	_ =	shalt  }
0x86: {  	_ =	shalt  }
0x87: {  	_ =	shalt  }
.Lfunc_end0:
.L_simem_size_0:
called_computation_lowered:
.L_overlay_start_0:
0x88: {  	s2 =	sld [smem:$0x3FD9]  }
0x89: {  	s3 =	sld [smem:$0x3FFE];
	_ =	sdelay $0x1  }
0x8a: {  	s1 =	srdreg.scid  }
0x8b: {  	s0 =	sand.u32 $0x1, s1  }
0x8c: {  	s17 =	sshll.u32 s0, $0xA;
	s2 =	sadd.s32 s3, s2  }
0x8d: {  	s2 =	sadd.s32 s2, s17  }
0x8e: {  	[smem:$0x3FBE] =	sst s2  }
0x8f: {  	_ = 	snop  }
0x90: {  	s2 =	sld [smem:$0x3FC1]  }
0x91: {  	s18 =	sld [smem:$0x3FD0];
	(tm) =	ssettm $0x1  }
0x92: {  	s4 =	sld [smem:$0x3FFB];
	_ =	sdelay $0x3  }
0x93: {  	_ =	strace s4  }
0x94: {  	s4 =	sld [smem:$0x3FFC];
	_ =	sdelay $0x3  }
0x95: {  	_ =	strace s4  }
0x96: {  	s4 =	sld [smem:$0x3FFD];
	_ =	sdelay $0x3  }
0x97: {  	_ =	strace s4  }
0x98: {  	_ =	strace $0x8FFFFFFF  }
0x99: {  	s19 =	sld [smem:$0x3FDB];
	_ =	sdelay $0x1  }
0x9a: {  	s5 =	simm.s32 $_scs_section_size  }
0x9b: {  	s6 =	simm.s32 $_size__tile_overlayer_lowered;
	s7 =	simm.s32 $_tile_overlayer_lowered  }
0x9c: {  	s22 =	simm.s32 $0x1BFF;
	s21 =	sshll.u32 s7, $0x1;
	s4 =	sadd.s32 s5, s19  }
0x9d: {  	s8 =	simm.s32 $0x0;
	s20 =	sshll.u32 s6, $0x1;
	s6 =	sadd.s32 s21, s4  }
0x9e: {  	[timem:s8], [sflag:s22] =	dma.local [hbm:s6], s20  }
0x9f: {  	_ =	swait.ge [sflag:s22], s20  }
0xa0: {  	s5 =	ssub.s32 $0x0, s20;
	[sflag:s22] =	ssyncset.done $0x0  }
0xa1: {  	[sflag:s22] =	ssyncadd.s32 s5;
	_ =	sdelay $0x1  }
0xa2: {  	s23 =	simm.s32 $0x1B8B  }
0xa3: {  	_ =	swait.ge [sflag:s23], $0x1  }
0xa4: {  	[sflag:s23] =	ssyncset.done $0x0  }
0xa5: {  	s25 =	simm.s32 $0x1B8E;
	s24 =	sld [smem:$0x3FFE];
	[sflag:s23] =	ssyncadd.s32 $0xFFFFFFFF  }
0xa6: {  	s26 =	simm.s32 $execute0_lowered;
	[smem:$0x3FD2] =	sst s25  }
0xa7: {  	s6 =	sshll.u32 s26, $0x1;
	_ =	strace $0x80000046;
	[dreg:$0x1] =	wrdreg $0xFFFFFFFF  }
0xa8: {  	s28 =	simm.s32 $_size_execute0_lowered;
	s4 =	sadd.s32 s4, s6;
	[dreg:$0x0] =	wrdreg $0x0  }
0xa9: {  	s6 =	sshll.u32 s28, $0x1;
	[dreg:$0x2] =	wrdreg s4  }
0xaa: {  	[dreg:$0x3] =	wrdreg s6  }
0xab: {  	[dreg:$0x4] =	wrdreg $0xC0  }
0xac: {  	_ =	task [dreg:s8], $0x5FFFF  }
0xad: {  	[dreg:$0x1] =	wrdreg $0xFFFFFFFF  }
0xae: {  	[dreg:$0x0] =	wrdreg $0x60  }
0xaf: {  	[dreg:$0x2] =	wrdreg s24  }
0xb0: {  	[dreg:$0x3] =	wrdreg s2  }
0xb1: {  	[dreg:$0x4] =	wrdreg s18  }
0xb2: {  	[dreg:$0x5] =	wrdreg $0x9  }
0xb3: {  	_ =	task.clear_ibuf [dreg:s8], $0x6FFFF;
	_ =	strace $0x90000046  }
0xb4: {  	s29 =	simm.s32 $0x9;
	_ =	strace $0x80000048  }
0xb5: {  	_ =	swait.ge [sflag:s29], $0x1  }
0xb6: {  	[sflag:s29] =	ssyncadd.s32 $0xFFFFFFFF  }
0xb7: {  	_ =	strace $0x90000048  }
0xb8: {  	_ =	sfence  }
0xb9: {  	s30 =	sld [smem:$0x0];
	_ =	sdelay $0x2  }
0xba: {  	s31 =	sshll.u32 s1, $0xD;
	s1 =	sshrl.u32 s1, $0x2  }
0xbb: {  	s3 =	sand.u32 $0x4000, s31;
	s1 =	sadd.s32 s1, s30  }
0xbc: {  	s0 =	sor.u32 s3, s0;
	s1 =	sshll.u32 s1, $0x11  }
0xbd: {  	s0 =	sor.u32 s1, s0  }
0xbe: {  	s0 =	sadd.s32 $0x8F2B, s0  }
0xbf: {  	[sflag:s0] =	ssyncadd.remote.s32 $0x1  }
0xc0: {  	_ =	sfence.sel $0xFFFF  }
0xc1: {  	[dreg:$0x0] =	wrdreg $0xFFFFFFFF;
	(pc) =	sbr.abs _section_cstart, $3  }
0xc2: {  	[dreg:$0x1] =	wrdreg $0xFFFFFFFF  }
0xc3: {  	_ =	task.clear_ibuf [dreg:s8], $0x2FFFF;
	_ =	strace $0x9FFFFFFF  }
0xc4: {  	(tm) =	ssettm $0x7FFFFFFF  }
0xc5: {  	_ =	shalt  }
tec
execute0_lowered:
.L_overlay_start_1:
0x0: {  	(tag) =	ssettag $0x1  }
0x1: {  	s5 =	rddreg [dreg:$0x0]  }
0x2: {  	s1 =	srdreg.scid;
	s3 =	rddreg [dreg:$0x1]  }
0x3: {  	s0 =	stileid.u32;
	s8 =	rddreg [dreg:$0x2];
	s6 =	sand.u32 $0x1, s1  }
0x4: {  	s2 =	simm.s32 $0x0;
	s4 =	sshll.u32 s0, $0x8;
	s7 =	sshll.u32 s6, $0x7  }
0x5: {  	[smem:$0x7FF] =	sst s2;
	s9 =	sor.u32 s7, s4  }
0x6: {  	s1 =	rddreg [dreg:$0x3];
	_ =	strace $0x80000047;
	s4 =	sshrl.u32 s9, $0x3  }
0x7: {  	s10 =	ssub.s32 $0x2, s6;
	s4 =	sadd.s32 s3, s4;
	s3 =	simm.s32 $0x2  }
0x8: {  	[tilespmem:s2], [sflag:$0x2] =	stream.linear.gather [hbm4b:s4+s2], $0x80, $0x38;
	[tilespmem:$0x4080] =	vst v63  }
0x9: {  	s5 =	sadd.s32 $0x1800, s5;
	s11 =	sshrl.u32 s10, $0x1;
	_ =	swait.ge [sflag:s3], $0x80  }
0xa: {  	s6 =	simm.s32 $0x80;
	s10 =	ssub.s32 s10, s11;
	[sflag:s3] =	ssyncset.done $0x0  }
0xb: {  	s7 =	simm.s32 $0x1;
	s31 =	smax.u32 s10, $0x1;
	[sflag:s3] =	ssyncadd.s32 $0xFFFFFF80  }
0xc: {  	[tilespmem:s6], [sflag:$0x1] =	stream.indirect.gather [hbm4b:s5+s6], $0x80, s2, s6, $0xb8;
	[tilespmem:$0x4080] =	vst v63  }
0xd: {  	p0 =	sne.s32 s31, $0x1;
	_ =	swait.ge [sflag:s7], $0x4000  }
.Ltmp0:
0xe: {  	s9 =	sshll.u32 s9, $0x4;
	[sflag:s7] =	ssyncset.done $0x0;
	(pc) =	sbr.rel @!p0 .LBB2_2-.Ltmp0, $4  }
0xf: {  	s8 =	sadd.s32 s8, s9;
	[sflag:s7] =	ssyncadd.s32 $0xFFFFC000  }
0x10: {  	[hbm4b:s8+s2] =	stream.linear.scatter [tilespmem:s6], [sflag:$0x2], $0x4000, $0x38;
	[tilespmem:$0x4080] =	vst v63  }
0x11: {  	_ =	swait.ge [sflag:s3], $0x4000  }
0x12: {  	s9 =	sadd.s32 $0xFFFFFFFF, s31;
	[sflag:s3] =	ssyncset.done $0x0  }
.LBB2_1:
0x13: {  	p0 =	sne.s32 s9, $0x1;
	s9 =	sadd.s32 $0xFFFFFFFF, s9;
	[sflag:s3] =	ssyncadd.s32 $0xFFFFC000  }
0x14: {  	[tilespmem:s2], [sflag:$0x2] =	stream.linear.gather [hbm4b:s4+s2], $0x80, $0x38;
	[tilespmem:$0x4080] =	vst v63  }
0x15: {  	_ =	swait.ge [sflag:s3], $0x80  }
0x16: {  	[sflag:s3] =	ssyncset.done $0x0  }
0x17: {  	[sflag:s3] =	ssyncadd.s32 $0xFFFFFF80  }
0x18: {  	[tilespmem:s6], [sflag:$0x1] =	stream.indirect.gather [hbm4b:s5+s6], $0x80, s2, s6, $0xb8;
	[tilespmem:$0x4080] =	vst v63  }
0x19: {  	_ =	swait.ge [sflag:s7], $0x4000  }
.Ltmp1:
0x1a: {  	[sflag:s7] =	ssyncset.done $0x0;
	(pc) =	sbr.rel @p0 .LBB2_1-.Ltmp1, $4  }
0x1b: {  	[sflag:s7] =	ssyncadd.s32 $0xFFFFC000  }
0x1c: {  	[hbm4b:s8+s2] =	stream.linear.scatter [tilespmem:s6], [sflag:$0x2], $0x4000, $0x38;
	[tilespmem:$0x4080] =	vst v63  }
0x1d: {  	_ =	swait.ge [sflag:s3], $0x4000  }
0x1e: {  	[sflag:s3] =	ssyncset.done $0x0  }
.LBB2_2:
0x1f: {  	[sflag:s3] =	ssyncadd.s32 $0xFFFFC000  }
0x20: {  	_ =	sfence.sel $0x180000  }
0x21: {  	[bflag:$0x0] =	sbarrier.arrive $0xFFFF  }
0x22: {  	p0 =	sne.s32 s0, $0x0;
	_ =	strace $0x90000047  }
0x23: {  	s0 =	sadd.s32 @!p0 $0x100000, s1;
	[bflag:$0x2] =	sbarrier.arrive $0xFFFF  }
0x24: {  	[sflag:s0] =	ssyncadd.tile.s32 @!p0 $0x1;
	_ =	shalt  }
.Lfunc_end2:
_tile_overlayer_lowered:
.L_overlay_start_2:
0x25: {  	(tag) =	ssettag $0x2  }
0x26: {  	s0 =	rddreg [dreg:$0x0];
	s2 =	stileid.u32  }
0x27: {  	s1 =	rddreg [dreg:$0x1];
	p0 =	sne.s32 s2, $0x0  }
0x28: {  	s3 =	rddreg [dreg:$0x2];
	[bflag:$0x3] =	sbarrier.arrive $0xFFFF;
	s2 =	simm.s32 @!p0 $0x1C02  }
0x29: {  	[timem:s3], [sflag:s2] =	dma.local @!p0 [hbm:s0], s1  }
0x2a: {  	s0 =	simm.s32 @!p0 $0x2  }
0x2b: {  	_ =	swait.ge @!p0 [sflag:s0], s1  }
0x2c: {  	s1 =	ssub.s32 @!p0 $0x0, s1;
	[sflag:s0] =	ssyncset.done @!p0 $0x0  }
0x2d: {  	[sflag:s0] =	ssyncadd.s32 @!p0 s1  }
0x2e: {  	[bflag:$0x3] =	sbarrier.arrive $0xFFFF  }
0x2f: {  	_ =	shalt  }

</sc_bundles>
